<compile_context>
chip_gen: v7x
topology: tpu7x:2x2x1
jax: 0.10.2.dev20260603
libtpu: 0.0.44.dev20260713+nightly
codegen_flags: <defaults>
</compile_context>

<pallas_src>
import functools

import jax
import jax.numpy as jnp
from jax import lax
from jax.experimental import pallas as pl
from jax.experimental.pallas import tpu as pltpu

B = 4
R = 5000
C = 80
K_PRE = 1000
NMS_THR = 0.5
SCORE_THR = 0.05
IM_H = 1024.0
IM_W = 1024.0
CLS_OFF = 1026.0


def _decode_score_kernel(rois_ref, cls_ref, reg_ref, boxes_ref, s_ref):
    scores = jax.nn.sigmoid(cls_ref[...])
    s_ref[...] = jnp.where(scores > SCORE_THR, scores, 0.0)

    rois = rois_ref[...]
    reg = reg_ref[...]
    w = rois[..., 2] - rois[..., 0]
    h = rois[..., 3] - rois[..., 1]
    cx = rois[..., 0] + 0.5 * w
    cy = rois[..., 1] + 0.5 * h
    dx = reg[..., 0]
    dy = reg[..., 1]
    dw = jnp.clip(reg[..., 2], -4.0, 4.0)
    dh = jnp.clip(reg[..., 3], -4.0, 4.0)
    pcx = cx + dx * w
    pcy = cy + dy * h
    pw = w * jnp.exp(dw)
    ph = h * jnp.exp(dh)
    x1 = jnp.clip(pcx - 0.5 * pw, 0.0, IM_W)
    y1 = jnp.clip(pcy - 0.5 * ph, 0.0, IM_H)
    x2 = jnp.clip(pcx + 0.5 * pw, 0.0, IM_W)
    y2 = jnp.clip(pcy + 0.5 * ph, 0.0, IM_H)
    boxes_ref[...] = jnp.stack([x1, y1, x2, y2], axis=-1)


def _nms_kernel(x1_ref, y1_ref, x2_ref, y2_ref, cls_ref, tbox_ref, s_ref,
                kept_ref, tboff_ref, sup_ref):
    off = cls_ref[...] * CLS_OFF
    x1 = x1_ref[...] + off
    y1 = y1_ref[...] + off
    x2 = x2_ref[...] + off
    y2 = y2_ref[...] + off
    area = (x2_ref[...] - x1_ref[...]) * (y2_ref[...] - y1_ref[...])

    coff = jnp.transpose(cls_ref[...])[:, :, None] * CLS_OFF
    tboff_ref[...] = tbox_ref[...] + coff

    lane = lax.broadcasted_iota(jnp.int32, (1, K_PRE), 1)

    CH = 125

    def pre(c, _):
        i0 = c * CH
        tb = tboff_ref[pl.ds(i0, CH)]
        x1i = tb[:, :, 0:1]
        y1i = tb[:, :, 1:2]
        x2i = tb[:, :, 2:3]
        y2i = tb[:, :, 3:4]
        area_i = (x2i - x1i) * (y2i - y1i)
        ix1 = jnp.maximum(x1i, x1[None])
        iy1 = jnp.maximum(y1i, y1[None])
        ix2 = jnp.minimum(x2i, x2[None])
        iy2 = jnp.minimum(y2i, y2[None])
        inter = jnp.maximum(ix2 - ix1, 0.0) * jnp.maximum(iy2 - iy1, 0.0)
        union = jnp.maximum(area_i + area[None] - inter, 1e-6)
        ii = i0 + lax.broadcasted_iota(jnp.int32, (CH, 1, K_PRE), 0)
        jj = lax.broadcasted_iota(jnp.int32, (CH, 1, K_PRE), 2)
        sup = (inter > NMS_THR * union) & (jj > ii)
        sup_ref[pl.ds(i0, CH)] = sup.astype(jnp.float32)
        return 0

    lax.fori_loop(0, K_PRE // CH, pre, 0)

    def body(i, keep):
        row = sup_ref[i]
        onehot = (lane == i).astype(jnp.float32)
        keep_i = jnp.sum(keep * onehot, axis=1, keepdims=True)
        return jnp.where(row * keep_i > 0.0, 0.0, keep)

    keep = lax.fori_loop(0, K_PRE, body, jnp.ones((B, K_PRE), jnp.float32))
    kept_ref[...] = s_ref[...] * keep


@jax.jit
def kernel(batch_rois, rcnn_cls_pred, rcnn_reg_pred):
    cls = rcnn_cls_pred[:, :, 0, 0].reshape(B, R, C)
    reg = rcnn_reg_pred[:, :, 0, 0].reshape(B, R, 4)

    boxes, s = pl.pallas_call(
        _decode_score_kernel,
        grid=(B,),
        in_specs=[
            pl.BlockSpec((1, R, 4), lambda b: (b, 0, 0)),
            pl.BlockSpec((1, R, C), lambda b: (b, 0, 0)),
            pl.BlockSpec((1, R, 4), lambda b: (b, 0, 0)),
        ],
        out_specs=[
            pl.BlockSpec((1, R, 4), lambda b: (b, 0, 0)),
            pl.BlockSpec((1, R, C), lambda b: (b, 0, 0)),
        ],
        out_shape=[
            jax.ShapeDtypeStruct((B, R, 4), jnp.float32),
            jax.ShapeDtypeStruct((B, R, C), jnp.float32),
        ],
    )(batch_rois, cls, reg)

    s_flat = s.reshape(B, R * C)
    top_s, top_i = lax.top_k(s_flat, K_PRE)
    top_boxes = jnp.take_along_axis(boxes, (top_i // C)[:, :, None], axis=1)
    top_cls = (top_i % C + 1).astype(jnp.float32)

    tbox = jnp.transpose(top_boxes, (1, 0, 2))
    kept = pl.pallas_call(
        _nms_kernel,
        in_specs=[
            pl.BlockSpec((B, K_PRE), lambda: (0, 0)),
            pl.BlockSpec((B, K_PRE), lambda: (0, 0)),
            pl.BlockSpec((B, K_PRE), lambda: (0, 0)),
            pl.BlockSpec((B, K_PRE), lambda: (0, 0)),
            pl.BlockSpec((B, K_PRE), lambda: (0, 0)),
            pl.BlockSpec((K_PRE, B, 4), lambda: (0, 0, 0)),
            pl.BlockSpec((B, K_PRE), lambda: (0, 0)),
        ],
        out_specs=pl.BlockSpec((B, K_PRE), lambda: (0, 0)),
        out_shape=jax.ShapeDtypeStruct((B, K_PRE), jnp.float32),
        scratch_shapes=[pltpu.VMEM((K_PRE, B, 4), jnp.float32),
                        pltpu.VMEM((K_PRE, B, K_PRE), jnp.float32)],
    )(top_boxes[..., 0], top_boxes[..., 1], top_boxes[..., 2],
      top_boxes[..., 3], top_cls, tbox, top_s)

    return jnp.concatenate(
        [top_boxes, kept[..., None], top_cls[..., None]], axis=-1)

# --- scband reference (transcript-rebuilt; emitter-appended) ---
"""Pipeline reference for scband-rcnndecoder-15719580304002 (READ-ONLY COPY).

The authoritative reference and input builder live on the scoring server;
editing this copy changes nothing except your own understanding.
"""

import jax, jax.numpy as jnp
import numpy as np
from jax import lax

B = 4
R = 5000
C = 80
K_PRE = 1000
NMS_THR = 0.5
SCORE_THR = 0.05
IM_H = 1024.0
IM_W = 1024.0


def setup_inputs(seed: int = 0):
    key = jax.random.key(seed)
    k1, k2, k3, k4 = jax.random.split(key, 4)
    xy = jax.random.uniform(k1, (B, R, 2), dtype=jnp.float32) * jnp.array([IM_W - 96.0, IM_H - 96.0], dtype=jnp.float32)
    wh = jax.random.uniform(k2, (B, R, 2), dtype=jnp.float32) * 80.0 + 8.0
    batch_rois = jnp.concatenate([xy, xy + wh], axis=-1)
    rcnn_cls_pred = jax.random.normal(k3, (B * R, C, 1, 1), dtype=jnp.float32) - 2.0
    rcnn_reg_pred = jax.random.normal(k4, (B * R, 4, 1, 1), dtype=jnp.float32) * 0.1
    return {"batch_rois": batch_rois, "rcnn_cls_pred": rcnn_cls_pred, "rcnn_reg_pred": rcnn_reg_pred}


def _delta2bbox(rois, deltas):
    # standard delta (dx, dy, dw, dh) decoding, legacy_bbox=False (no +1 offset)
    w = rois[..., 2] - rois[..., 0]
    h = rois[..., 3] - rois[..., 1]
    cx = rois[..., 0] + 0.5 * w
    cy = rois[..., 1] + 0.5 * h
    dx = deltas[..., 0]
    dy = deltas[..., 1]
    dw = jnp.clip(deltas[..., 2], -4.0, 4.0)
    dh = jnp.clip(deltas[..., 3], -4.0, 4.0)
    pcx = cx + dx * w
    pcy = cy + dy * h
    pw = w * jnp.exp(dw)
    ph = h * jnp.exp(dh)
    x1 = jnp.clip(pcx - 0.5 * pw, 0.0, IM_W)
    y1 = jnp.clip(pcy - 0.5 * ph, 0.0, IM_H)
    x2 = jnp.clip(pcx + 0.5 * pw, 0.0, IM_W)
    y2 = jnp.clip(pcy + 0.5 * ph, 0.0, IM_H)
    return jnp.stack([x1, y1, x2, y2], axis=-1)


def _pairwise_iou(b):
    x1 = jnp.maximum(b[:, None, 0], b[None, :, 0])
    y1 = jnp.maximum(b[:, None, 1], b[None, :, 1])
    x2 = jnp.minimum(b[:, None, 2], b[None, :, 2])
    y2 = jnp.minimum(b[:, None, 3], b[None, :, 3])
    inter = jnp.clip(x2 - x1, 0.0) * jnp.clip(y2 - y1, 0.0)
    area = (b[:, 2] - b[:, 0]) * (b[:, 3] - b[:, 1])
    union = area[:, None] + area[None, :] - inter
    return inter / jnp.maximum(union, 1e-6)


def _nms_single(boxes, scores, cls_idx):
    # batched_nms via class-offset trick: shift boxes per class so cross-class IoU = 0
    off = cls_idx[:, None] * (jnp.maximum(IM_H, IM_W) + 2.0)
    iou = lax.stop_gradient(_pairwise_iou(boxes + off))
    idxs = jnp.arange(K_PRE)

    def body(keep, i):
        sup = (iou[i] > NMS_THR) & (idxs > i) & keep[i]
        keep = keep & jnp.logical_not(sup)
        return keep, None

    keep, _ = lax.scan(body, jnp.ones((K_PRE,), dtype=bool), idxs)
    return scores * keep.astype(scores.dtype)


def reference(batch_rois, rcnn_cls_pred, rcnn_reg_pred):
    # emulate stack(split(...))[:, :, :, 0, 0]
    cls = rcnn_cls_pred[:, :, 0, 0].reshape(B, R, C)
    reg = rcnn_reg_pred[:, :, 0, 0].reshape(B, R, 4)
    # cls_act_type='sigmoid' -> index_start=0, sigmoid activation on scores
    scores = jax.nn.sigmoid(cls)
    boxes = _delta2bbox(batch_rois, reg)
    # replicate each decoded box across classes: [B, R*C, 4]
    boxes_exp = jnp.broadcast_to(boxes[:, :, None, :], (B, R, C, 4)).reshape(B, R * C, 4)
    cls_idx = jnp.arange(C, dtype=jnp.float32) + 1.0
    cls_flat = jnp.broadcast_to(cls_idx[None, None, :], (B, R, C)).reshape(B, R * C)
    s_flat = scores.reshape(B, R * C)
    # score threshold (with_scores_gt): zero out low scores so they sort last
    s_flat = jnp.where(s_flat > SCORE_THR, s_flat, 0.0)
    # pre-NMS top-k selection (fixed-size surrogate for dynamic filtering)
    top_s, top_i = lax.top_k(s_flat, K_PRE)
    top_boxes = jnp.take_along_axis(boxes_exp, top_i[:, :, None], axis=1)
    top_cls = jnp.take_along_axis(cls_flat, top_i, axis=1)
    kept_scores = jax.vmap(_nms_single)(top_boxes, top_s, top_cls)
    # padded dense output: [B, K_PRE, 6] = (x1,y1,x2,y2,score,cls_idx); suppressed -> score 0
    return jnp.concatenate([top_boxes, kept_scores[..., None], top_cls[..., None]], axis=-1)

if __name__ == "__main__":
    import jax
    _d = setup_inputs()
    print(jax.jit(kernel)(*tuple(_d.values())))

</pallas_src>

<mosaic_0001>
module attributes {stable_mosaic.version = 14 : i64} {
  func.func @_decode_score_kernel(%arg0: i32, %arg1: memref<1x5000x4xf32, #tpu.memory_space<vmem>>, %arg2: memref<1x5000x80xf32, #tpu.memory_space<vmem>>, %arg3: memref<1x5000x4xf32, #tpu.memory_space<vmem>>, %arg4: memref<1x5000x4xf32, #tpu.memory_space<vmem>>, %arg5: memref<1x5000x80xf32, #tpu.memory_space<vmem>>) attributes {dimension_semantics = [#tpu.dimension_semantics<arbitrary>], iteration_bounds = array<i64: 4>, scalar_prefetch = 0 : i64, scratch_operands = 0 : i64, tpu.core_type = #tpu.core_type<tc>, window_params = [{transform_indices = @transform_0, window_bounds = array<i64: 1, 5000, 4>}, {transform_indices = @transform_1, window_bounds = array<i64: 1, 5000, 80>}, {transform_indices = @transform_2, window_bounds = array<i64: 1, 5000, 4>}, {transform_indices = @transform_3, window_bounds = array<i64: 1, 5000, 4>}, {transform_indices = @transform_4, window_bounds = array<i64: 1, 5000, 80>}]} {
    %get3A = arith.constant 0 : index
    %get3A_0 = arith.constant 0 : index
    %get3A_1 = arith.constant 0 : index
    %get3A_2 = vector.load %arg2[%get3A, %get3A_0, %get3A_1] : memref<1x5000x80xf32, #tpu.memory_space<vmem>>, vector<1x5000x80xf32>
    %logistic3A = arith.negf %get3A_2 : vector<1x5000x80xf32>
    %logistic3A_3 = math.exp %logistic3A : vector<1x5000x80xf32>
    %logistic3A_4 = arith.constant 1.000000e+00 : f32
    %logistic3A_5 = vector.broadcast %logistic3A_4 : f32 to vector<1x5000x80xf32>
    %logistic3A_6 = arith.addf %logistic3A_5, %logistic3A_3 : vector<1x5000x80xf32>
    %logistic3A_7 = arith.divf %logistic3A_5, %logistic3A_6 : vector<1x5000x80xf32>
    %gt3A = arith.constant 5.000000e-02 : f32
    %gt3A_8 = vector.broadcast %gt3A : f32 to vector<1x5000x80xf32>
    %gt3A_9 = arith.cmpf ogt, %logistic3A_7, %gt3A_8 : vector<1x5000x80xf32>
    %jit3A = arith.constant 0.000000e+00 : f32
    %broadcast_in_dim3A = vector.broadcast %jit3A : f32 to vector<1x5000x80xf32>
    %select_n3A = arith.select %gt3A_9, %logistic3A_7, %broadcast_in_dim3A : vector<1x5000x80xi1>, vector<1x5000x80xf32>
    %swap3A = arith.constant 0 : index
    %swap3A_10 = arith.constant 0 : index
    %swap3A_11 = arith.constant 0 : index
    %swap3A_12 = vector.load %arg5[%swap3A, %swap3A_10, %swap3A_11] : memref<1x5000x80xf32, #tpu.memory_space<vmem>>, vector<1x5000x80xf32>
    tpu.vector_store %arg5[%swap3A, %swap3A_10, %swap3A_11], %select_n3A {strides = array<i32>} : memref<1x5000x80xf32, #tpu.memory_space<vmem>>, vector<1x5000x80xf32>,
    %get3A_13 = arith.constant 0 : index
    %get3A_14 = arith.constant 0 : index
    %get3A_15 = arith.constant 0 : index
    %get3A_16 = vector.load %arg1[%get3A_13, %get3A_14, %get3A_15] : memref<1x5000x4xf32, #tpu.memory_space<vmem>>, vector<1x5000x4xf32>
    %get3A_17 = arith.constant 0 : index
    %get3A_18 = arith.constant 0 : index
    %get3A_19 = arith.constant 0 : index
    %get3A_20 = vector.load %arg3[%get3A_17, %get3A_18, %get3A_19] : memref<1x5000x4xf32, #tpu.memory_space<vmem>>, vector<1x5000x4xf32>
    %slice3A = vector.extract_strided_slice %get3A_16 {offsets = [0, 0, 2], sizes = [1, 5000, 1], strides = [1, 1, 1]} : vector<1x5000x4xf32> to vector<1x5000x1xf32>
    %squeeze3A = vector.shape_cast %slice3A : vector<1x5000x1xf32> to vector<1x5000xf32>
    %slice3A_21 = vector.extract_strided_slice %get3A_16 {offsets = [0, 0, 0], sizes = [1, 5000, 1], strides = [1, 1, 1]} : vector<1x5000x4xf32> to vector<1x5000x1xf32>
    %squeeze3A_22 = vector.shape_cast %slice3A_21 : vector<1x5000x1xf32> to vector<1x5000xf32>
    %sub3A = arith.subf %squeeze3A, %squeeze3A_22 : vector<1x5000xf32>
    %slice3A_23 = vector.extract_strided_slice %get3A_16 {offsets = [0, 0, 3], sizes = [1, 5000, 1], strides = [1, 1, 1]} : vector<1x5000x4xf32> to vector<1x5000x1xf32>
    %squeeze3A_24 = vector.shape_cast %slice3A_23 : vector<1x5000x1xf32> to vector<1x5000xf32>
    %slice3A_25 = vector.extract_strided_slice %get3A_16 {offsets = [0, 0, 1], sizes = [1, 5000, 1], strides = [1, 1, 1]} : vector<1x5000x4xf32> to vector<1x5000x1xf32>
    %squeeze3A_26 = vector.shape_cast %slice3A_25 : vector<1x5000x1xf32> to vector<1x5000xf32>
    %sub3A_27 = arith.subf %squeeze3A_24, %squeeze3A_26 : vector<1x5000xf32>
    %slice3A_28 = vector.extract_strided_slice %get3A_16 {offsets = [0, 0, 0], sizes = [1, 5000, 1], strides = [1, 1, 1]} : vector<1x5000x4xf32> to vector<1x5000x1xf32>
    %squeeze3A_29 = vector.shape_cast %slice3A_28 : vector<1x5000x1xf32> to vector<1x5000xf32>
    %mul3A = arith.constant 5.000000e-01 : f32
    %mul3A_30 = vector.broadcast %mul3A : f32 to vector<1x5000xf32>
    %mul3A_31 = arith.mulf %mul3A_30, %sub3A : vector<1x5000xf32>
    %add3A = arith.addf %squeeze3A_29, %mul3A_31 : vector<1x5000xf32>
    %slice3A_32 = vector.extract_strided_slice %get3A_16 {offsets = [0, 0, 1], sizes = [1, 5000, 1], strides = [1, 1, 1]} : vector<1x5000x4xf32> to vector<1x5000x1xf32>
    %squeeze3A_33 = vector.shape_cast %slice3A_32 : vector<1x5000x1xf32> to vector<1x5000xf32>
    %mul3A_34 = arith.constant 5.000000e-01 : f32
    %mul3A_35 = vector.broadcast %mul3A_34 : f32 to vector<1x5000xf32>
    %mul3A_36 = arith.mulf %mul3A_35, %sub3A_27 : vector<1x5000xf32>
    %add3A_37 = arith.addf %squeeze3A_33, %mul3A_36 : vector<1x5000xf32>
    %slice3A_38 = vector.extract_strided_slice %get3A_20 {offsets = [0, 0, 0], sizes = [1, 5000, 1], strides = [1, 1, 1]} : vector<1x5000x4xf32> to vector<1x5000x1xf32>
    %squeeze3A_39 = vector.shape_cast %slice3A_38 : vector<1x5000x1xf32> to vector<1x5000xf32>
    %slice3A_40 = vector.extract_strided_slice %get3A_20 {offsets = [0, 0, 1], sizes = [1, 5000, 1], strides = [1, 1, 1]} : vector<1x5000x4xf32> to vector<1x5000x1xf32>
    %squeeze3A_41 = vector.shape_cast %slice3A_40 : vector<1x5000x1xf32> to vector<1x5000xf32>
    %slice3A_42 = vector.extract_strided_slice %get3A_20 {offsets = [0, 0, 2], sizes = [1, 5000, 1], strides = [1, 1, 1]} : vector<1x5000x4xf32> to vector<1x5000x1xf32>
    %squeeze3A_43 = vector.shape_cast %slice3A_42 : vector<1x5000x1xf32> to vector<1x5000xf32>
    %jit3A_44 = arith.constant -4.000000e+00 : f32
    %jit3A_45 = arith.constant 4.000000e+00 : f32
    %max3A = vector.broadcast %jit3A_44 : f32 to vector<1x5000xf32>
    %max3A_46 = arith.maximumf %max3A, %squeeze3A_43 : vector<1x5000xf32>
    %min3A = vector.broadcast %jit3A_45 : f32 to vector<1x5000xf32>
    %min3A_47 = arith.minimumf %min3A, %max3A_46 : vector<1x5000xf32>
    %slice3A_48 = vector.extract_strided_slice %get3A_20 {offsets = [0, 0, 3], sizes = [1, 5000, 1], strides = [1, 1, 1]} : vector<1x5000x4xf32> to vector<1x5000x1xf32>
    %squeeze3A_49 = vector.shape_cast %slice3A_48 : vector<1x5000x1xf32> to vector<1x5000xf32>
    %jit3A_50 = arith.constant -4.000000e+00 : f32
    %jit3A_51 = arith.constant 4.000000e+00 : f32
    %max3A_52 = vector.broadcast %jit3A_50 : f32 to vector<1x5000xf32>
    %max3A_53 = arith.maximumf %max3A_52, %squeeze3A_49 : vector<1x5000xf32>
    %min3A_54 = vector.broadcast %jit3A_51 : f32 to vector<1x5000xf32>
    %min3A_55 = arith.minimumf %min3A_54, %max3A_53 : vector<1x5000xf32>
    %mul3A_56 = arith.mulf %squeeze3A_39, %sub3A : vector<1x5000xf32>
    %add3A_57 = arith.addf %add3A, %mul3A_56 : vector<1x5000xf32>
    %mul3A_58 = arith.mulf %squeeze3A_41, %sub3A_27 : vector<1x5000xf32>
    %add3A_59 = arith.addf %add3A_37, %mul3A_58 : vector<1x5000xf32>
    %exp3A = math.exp %min3A_47 : vector<1x5000xf32>
    %mul3A_60 = arith.mulf %sub3A, %exp3A : vector<1x5000xf32>
    %exp3A_61 = math.exp %min3A_55 : vector<1x5000xf32>
    %mul3A_62 = arith.mulf %sub3A_27, %exp3A_61 : vector<1x5000xf32>
    %mul3A_63 = arith.constant 5.000000e-01 : f32
    %mul3A_64 = vector.broadcast %mul3A_63 : f32 to vector<1x5000xf32>
    %mul3A_65 = arith.mulf %mul3A_64, %mul3A_60 : vector<1x5000xf32>
    %sub3A_66 = arith.subf %add3A_57, %mul3A_65 : vector<1x5000xf32>
    %jit3A_67 = arith.constant 0.000000e+00 : f32
    %jit3A_68 = arith.constant 1.024000e+03 : f32
    %max3A_69 = vector.broadcast %jit3A_67 : f32 to vector<1x5000xf32>
    %max3A_70 = arith.maximumf %max3A_69, %sub3A_66 : vector<1x5000xf32>
    %min3A_71 = vector.broadcast %jit3A_68 : f32 to vector<1x5000xf32>
    %min3A_72 = arith.minimumf %min3A_71, %max3A_70 : vector<1x5000xf32>
    %mul3A_73 = arith.constant 5.000000e-01 : f32
    %mul3A_74 = vector.broadcast %mul3A_73 : f32 to vector<1x5000xf32>
    %mul3A_75 = arith.mulf %mul3A_74, %mul3A_62 : vector<1x5000xf32>
    %sub3A_76 = arith.subf %add3A_59, %mul3A_75 : vector<1x5000xf32>
    %jit3A_77 = arith.constant 0.000000e+00 : f32
    %jit3A_78 = arith.constant 1.024000e+03 : f32
    %max3A_79 = vector.broadcast %jit3A_77 : f32 to vector<1x5000xf32>
    %max3A_80 = arith.maximumf %max3A_79, %sub3A_76 : vector<1x5000xf32>
    %min3A_81 = vector.broadcast %jit3A_78 : f32 to vector<1x5000xf32>
    %min3A_82 = arith.minimumf %min3A_81, %max3A_80 : vector<1x5000xf32>
    %mul3A_83 = arith.constant 5.000000e-01 : f32
    %mul3A_84 = vector.broadcast %mul3A_83 : f32 to vector<1x5000xf32>
    %mul3A_85 = arith.mulf %mul3A_84, %mul3A_60 : vector<1x5000xf32>
    %add3A_86 = arith.addf %add3A_57, %mul3A_85 : vector<1x5000xf32>
    %jit3A_87 = arith.constant 0.000000e+00 : f32
    %jit3A_88 = arith.constant 1.024000e+03 : f32
    %max3A_89 = vector.broadcast %jit3A_87 : f32 to vector<1x5000xf32>
    %max3A_90 = arith.maximumf %max3A_89, %add3A_86 : vector<1x5000xf32>
    %min3A_91 = vector.broadcast %jit3A_88 : f32 to vector<1x5000xf32>
    %min3A_92 = arith.minimumf %min3A_91, %max3A_90 : vector<1x5000xf32>
    %mul3A_93 = arith.constant 5.000000e-01 : f32
    %mul3A_94 = vector.broadcast %mul3A_93 : f32 to vector<1x5000xf32>
    %mul3A_95 = arith.mulf %mul3A_94, %mul3A_62 : vector<1x5000xf32>
    %add3A_96 = arith.addf %add3A_59, %mul3A_95 : vector<1x5000xf32>
    %jit3A_97 = arith.constant 0.000000e+00 : f32
    %jit3A_98 = arith.constant 1.024000e+03 : f32
    %max3A_99 = vector.broadcast %jit3A_97 : f32 to vector<1x5000xf32>
    %max3A_100 = arith.maximumf %max3A_99, %add3A_96 : vector<1x5000xf32>
    %min3A_101 = vector.broadcast %jit3A_98 : f32 to vector<1x5000xf32>
    %min3A_102 = arith.minimumf %min3A_101, %max3A_100 : vector<1x5000xf32>
    %stack3A = vector.shape_cast %min3A_72 : vector<1x5000xf32> to vector<1x5000x1xf32>
    %stack3A_103 = vector.shape_cast %min3A_82 : vector<1x5000xf32> to vector<1x5000x1xf32>
    %stack3A_104 = vector.shape_cast %min3A_92 : vector<1x5000xf32> to vector<1x5000x1xf32>
    %stack3A_105 = vector.shape_cast %min3A_102 : vector<1x5000xf32> to vector<1x5000x1xf32>
    %stack3A_106 = tpu.concatenate %stack3A, %stack3A_103, %stack3A_104, %stack3A_105 in 2 : vector<1x5000x1xf32>, vector<1x5000x1xf32>, vector<1x5000x1xf32>, vector<1x5000x1xf32> -> vector<1x5000x4xf32>
    %swap3A_107 = arith.constant 0 : index
    %swap3A_108 = arith.constant 0 : index
    %swap3A_109 = arith.constant 0 : index
    %swap3A_110 = vector.load %arg4[%swap3A_107, %swap3A_108, %swap3A_109] : memref<1x5000x4xf32, #tpu.memory_space<vmem>>, vector<1x5000x4xf32>
    tpu.vector_store %arg4[%swap3A_107, %swap3A_108, %swap3A_109], %stack3A_106 {strides = array<i32>} : memref<1x5000x4xf32, #tpu.memory_space<vmem>>, vector<1x5000x4xf32>,
    return
  }
  func.func @transform_0(%arg0: i32) -> (i32, i32, i32) {
    %c0_i32 = arith.constant 0 : i32
    %c0_i32_0 = arith.constant 0 : i32
    %c0_i32_1 = arith.constant 0 : i32
    return %arg0, %c0_i32, %c0_i32_0 : i32, i32, i32
  }
  func.func @transform_1(%arg0: i32) -> (i32, i32, i32) {
    %c0_i32 = arith.constant 0 : i32
    %c0_i32_0 = arith.constant 0 : i32
    %c0_i32_1 = arith.constant 0 : i32
    return %arg0, %c0_i32, %c0_i32_0 : i32, i32, i32
  }
  func.func @transform_2(%arg0: i32) -> (i32, i32, i32) {
    %c0_i32 = arith.constant 0 : i32
    %c0_i32_0 = arith.constant 0 : i32
    %c0_i32_1 = arith.constant 0 : i32
    return %arg0, %c0_i32, %c0_i32_0 : i32, i32, i32
  }
  func.func @transform_3(%arg0: i32) -> (i32, i32, i32) {
    %c0_i32 = arith.constant 0 : i32
    %c0_i32_0 = arith.constant 0 : i32
    %c0_i32_1 = arith.constant 0 : i32
    return %arg0, %c0_i32, %c0_i32_0 : i32, i32, i32
  }
  func.func @transform_4(%arg0: i32) -> (i32, i32, i32) {
    %c0_i32 = arith.constant 0 : i32
    %c0_i32_0 = arith.constant 0 : i32
    %c0_i32_1 = arith.constant 0 : i32
    return %arg0, %c0_i32, %c0_i32_0 : i32, i32, i32
  }
}

module attributes {stable_mosaic.version = 14 : i64} {
  func.func @_nms_kernel(%arg0: memref<4x1000xf32, #tpu.memory_space<vmem>>, %arg1: memref<4x1000xf32, #tpu.memory_space<vmem>>, %arg2: memref<4x1000xf32, #tpu.memory_space<vmem>>, %arg3: memref<4x1000xf32, #tpu.memory_space<vmem>>, %arg4: memref<4x1000xf32, #tpu.memory_space<vmem>>, %arg5: memref<1000x4x4xf32, #tpu.memory_space<vmem>>, %arg6: memref<4x1000xf32, #tpu.memory_space<vmem>>, %arg7: memref<4x1000xf32, #tpu.memory_space<vmem>>, %arg8: memref<1000x4x4xf32, #tpu.memory_space<vmem>>, %arg9: memref<1000x4x1000xf32, #tpu.memory_space<vmem>>) attributes {dimension_semantics = [], scalar_prefetch = 0 : i64, scratch_operands = 2 : i64, tpu.core_type = #tpu.core_type<tc>} {
    %get3A = arith.constant 0 : index
    %get3A_0 = arith.constant 0 : index
    %get3A_1 = vector.load %arg4[%get3A, %get3A_0] : memref<4x1000xf32, #tpu.memory_space<vmem>>, vector<4x1000xf32>
    %mul3A = arith.constant 1.026000e+03 : f32
    %mul3A_2 = vector.broadcast %mul3A : f32 to vector<4x1000xf32>
    %mul3A_3 = arith.mulf %get3A_1, %mul3A_2 : vector<4x1000xf32>
    %get3A_4 = arith.constant 0 : index
    %get3A_5 = arith.constant 0 : index
    %get3A_6 = vector.load %arg0[%get3A_4, %get3A_5] : memref<4x1000xf32, #tpu.memory_space<vmem>>, vector<4x1000xf32>
    %add3A = arith.addf %get3A_6, %mul3A_3 : vector<4x1000xf32>
    %get3A_7 = arith.constant 0 : index
    %get3A_8 = arith.constant 0 : index
    %get3A_9 = vector.load %arg1[%get3A_7, %get3A_8] : memref<4x1000xf32, #tpu.memory_space<vmem>>, vector<4x1000xf32>
    %add3A_10 = arith.addf %get3A_9, %mul3A_3 : vector<4x1000xf32>
    %get3A_11 = arith.constant 0 : index
    %get3A_12 = arith.constant 0 : index
    %get3A_13 = vector.load %arg2[%get3A_11, %get3A_12] : memref<4x1000xf32, #tpu.memory_space<vmem>>, vector<4x1000xf32>
    %add3A_14 = arith.addf %get3A_13, %mul3A_3 : vector<4x1000xf32>
    %get3A_15 = arith.constant 0 : index
    %get3A_16 = arith.constant 0 : index
    %get3A_17 = vector.load %arg3[%get3A_15, %get3A_16] : memref<4x1000xf32, #tpu.memory_space<vmem>>, vector<4x1000xf32>
    %add3A_18 = arith.addf %get3A_17, %mul3A_3 : vector<4x1000xf32>
    %get3A_19 = arith.constant 0 : index
    %get3A_20 = arith.constant 0 : index
    %get3A_21 = vector.load %arg2[%get3A_19, %get3A_20] : memref<4x1000xf32, #tpu.memory_space<vmem>>, vector<4x1000xf32>
    %get3A_22 = arith.constant 0 : index
    %get3A_23 = arith.constant 0 : index
    %get3A_24 = vector.load %arg0[%get3A_22, %get3A_23] : memref<4x1000xf32, #tpu.memory_space<vmem>>, vector<4x1000xf32>
    %sub3A = arith.subf %get3A_21, %get3A_24 : vector<4x1000xf32>
    %get3A_25 = arith.constant 0 : index
    %get3A_26 = arith.constant 0 : index
    %get3A_27 = vector.load %arg3[%get3A_25, %get3A_26] : memref<4x1000xf32, #tpu.memory_space<vmem>>, vector<4x1000xf32>
    %get3A_28 = arith.constant 0 : index
    %get3A_29 = arith.constant 0 : index
    %get3A_30 = vector.load %arg1[%get3A_28, %get3A_29] : memref<4x1000xf32, #tpu.memory_space<vmem>>, vector<4x1000xf32>
    %sub3A_31 = arith.subf %get3A_27, %get3A_30 : vector<4x1000xf32>
    %mul3A_32 = arith.mulf %sub3A, %sub3A_31 : vector<4x1000xf32>
    %get3A_33 = arith.constant 0 : index
    %get3A_34 = arith.constant 0 : index
    %get3A_35 = vector.load %arg4[%get3A_33, %get3A_34] : memref<4x1000xf32, #tpu.memory_space<vmem>>, vector<4x1000xf32>
    %transpose3A = tpu.transpose %get3A_35, [1, 0] : vector<4x1000xf32> -> vector<1000x4xf32>
    %broadcast_in_dim3A = vector.shape_cast %transpose3A : vector<1000x4xf32> to vector<1000x4x1xf32>
    %mul3A_36 = arith.constant 1.026000e+03 : f32
    %mul3A_37 = vector.broadcast %mul3A_36 : f32 to vector<1000x4x1xf32>
    %mul3A_38 = arith.mulf %broadcast_in_dim3A, %mul3A_37 : vector<1000x4x1xf32>
    %get3A_39 = arith.constant 0 : index
    %get3A_40 = arith.constant 0 : index
    %get3A_41 = arith.constant 0 : index
    %get3A_42 = vector.load %arg5[%get3A_39, %get3A_40, %get3A_41] : memref<1000x4x4xf32, #tpu.memory_space<vmem>>, vector<1000x4x4xf32>
    %add3A_43 = vector.broadcast %mul3A_38 : vector<1000x4x1xf32> to vector<1000x4x4xf32>
    %add3A_44 = arith.addf %get3A_42, %add3A_43 : vector<1000x4x4xf32>
    %swap3A = arith.constant 0 : index
    %swap3A_45 = arith.constant 0 : index
    %swap3A_46 = arith.constant 0 : index
    %swap3A_47 = vector.load %arg8[%swap3A, %swap3A_45, %swap3A_46] : memref<1000x4x4xf32, #tpu.memory_space<vmem>>, vector<1000x4x4xf32>
    tpu.vector_store %arg8[%swap3A, %swap3A_45, %swap3A_46], %add3A_44 {strides = array<i32>} : memref<1000x4x4xf32, #tpu.memory_space<vmem>>, vector<1000x4x4xf32>,
    %iota3A = tpu.iota {dimensions = array<i32: 1>} : vector<1x1000xi32>
    %scan3A = arith.constant 0 : i32
    %scan3A_48 = arith.constant 8 : i32
    %scan3A_49 = arith.addi %scan3A, %scan3A_48 : i32
    %scan3A_50 = arith.constant 1 : i32
    scf.for %scan3A_67 = %scan3A to %scan3A_49 step %scan3A_50  : i32 {
      %mul3A_68 = arith.constant 125 : i32
      %mul3A_69 = arith.muli %scan3A_67, %mul3A_68 : i32
      %get3A_70 = arith.index_cast %mul3A_69 : i32 to index
      %get3A_71 = arith.constant 0 : index
      %get3A_72 = arith.constant 0 : index
      %get3A_73 = vector.load %arg8[%get3A_70, %get3A_71, %get3A_72] : memref<1000x4x4xf32, #tpu.memory_space<vmem>>, vector<125x4x4xf32>
      %slice3A = vector.extract_strided_slice %get3A_73 {offsets = [0, 0, 0], sizes = [125, 4, 1], strides = [1, 1, 1]} : vector<125x4x4xf32> to vector<125x4x1xf32>
      %slice3A_74 = vector.extract_strided_slice %get3A_73 {offsets = [0, 0, 1], sizes = [125, 4, 1], strides = [1, 1, 1]} : vector<125x4x4xf32> to vector<125x4x1xf32>
      %slice3A_75 = vector.extract_strided_slice %get3A_73 {offsets = [0, 0, 2], sizes = [125, 4, 1], strides = [1, 1, 1]} : vector<125x4x4xf32> to vector<125x4x1xf32>
      %slice3A_76 = vector.extract_strided_slice %get3A_73 {offsets = [0, 0, 3], sizes = [125, 4, 1], strides = [1, 1, 1]} : vector<125x4x4xf32> to vector<125x4x1xf32>
      %sub3A_77 = arith.subf %slice3A_75, %slice3A : vector<125x4x1xf32>
      %sub3A_78 = arith.subf %slice3A_76, %slice3A_74 : vector<125x4x1xf32>
      %mul3A_79 = arith.mulf %sub3A_77, %sub3A_78 : vector<125x4x1xf32>
      %broadcast_in_dim3A_80 = vector.shape_cast %add3A : vector<4x1000xf32> to vector<1x4x1000xf32>
      %max3A = vector.broadcast %slice3A : vector<125x4x1xf32> to vector<125x4x1000xf32>
      %max3A_81 = vector.broadcast %broadcast_in_dim3A_80 : vector<1x4x1000xf32> to vector<125x4x1000xf32>
      %max3A_82 = arith.maximumf %max3A, %max3A_81 : vector<125x4x1000xf32>
      %broadcast_in_dim3A_83 = vector.shape_cast %add3A_10 : vector<4x1000xf32> to vector<1x4x1000xf32>
      %max3A_84 = vector.broadcast %slice3A_74 : vector<125x4x1xf32> to vector<125x4x1000xf32>
      %max3A_85 = vector.broadcast %broadcast_in_dim3A_83 : vector<1x4x1000xf32> to vector<125x4x1000xf32>
      %max3A_86 = arith.maximumf %max3A_84, %max3A_85 : vector<125x4x1000xf32>
      %broadcast_in_dim3A_87 = vector.shape_cast %add3A_14 : vector<4x1000xf32> to vector<1x4x1000xf32>
      %min3A = vector.broadcast %slice3A_75 : vector<125x4x1xf32> to vector<125x4x1000xf32>
      %min3A_88 = vector.broadcast %broadcast_in_dim3A_87 : vector<1x4x1000xf32> to vector<125x4x1000xf32>
      %min3A_89 = arith.minimumf %min3A, %min3A_88 : vector<125x4x1000xf32>
      %broadcast_in_dim3A_90 = vector.shape_cast %add3A_18 : vector<4x1000xf32> to vector<1x4x1000xf32>
      %min3A_91 = vector.broadcast %slice3A_76 : vector<125x4x1xf32> to vector<125x4x1000xf32>
      %min3A_92 = vector.broadcast %broadcast_in_dim3A_90 : vector<1x4x1000xf32> to vector<125x4x1000xf32>
      %min3A_93 = arith.minimumf %min3A_91, %min3A_92 : vector<125x4x1000xf32>
      %sub3A_94 = arith.subf %min3A_89, %max3A_82 : vector<125x4x1000xf32>
      %max3A_95 = arith.constant 0.000000e+00 : f32
      %max3A_96 = vector.broadcast %max3A_95 : f32 to vector<125x4x1000xf32>
      %max3A_97 = arith.maximumf %sub3A_94, %max3A_96 : vector<125x4x1000xf32>
      %sub3A_98 = arith.subf %min3A_93, %max3A_86 : vector<125x4x1000xf32>
      %max3A_99 = arith.constant 0.000000e+00 : f32
      %max3A_100 = vector.broadcast %max3A_99 : f32 to vector<125x4x1000xf32>
      %max3A_101 = arith.maximumf %sub3A_98, %max3A_100 : vector<125x4x1000xf32>
      %mul3A_102 = arith.mulf %max3A_97, %max3A_101 : vector<125x4x1000xf32>
      %broadcast_in_dim3A_103 = vector.shape_cast %mul3A_32 : vector<4x1000xf32> to vector<1x4x1000xf32>
      %add3A_104 = vector.broadcast %mul3A_79 : vector<125x4x1xf32> to vector<125x4x1000xf32>
      %add3A_105 = vector.broadcast %broadcast_in_dim3A_103 : vector<1x4x1000xf32> to vector<125x4x1000xf32>
      %add3A_106 = arith.addf %add3A_104, %add3A_105 : vector<125x4x1000xf32>
      %sub3A_107 = arith.subf %add3A_106, %mul3A_102 : vector<125x4x1000xf32>
      %max3A_108 = arith.constant 9.99999997E-7 : f32
      %max3A_109 = vector.broadcast %max3A_108 : f32 to vector<125x4x1000xf32>
      %max3A_110 = arith.maximumf %sub3A_107, %max3A_109 : vector<125x4x1000xf32>
      %iota3A_111 = tpu.iota {dimensions = array<i32: 0>} : vector<125x1x1000xi32>
      %add3A_112 = vector.broadcast %mul3A_69 : i32 to vector<125x1x1000xi32>
      %add3A_113 = arith.addi %add3A_112, %iota3A_111 : vector<125x1x1000xi32>
      %iota3A_114 = tpu.iota {dimensions = array<i32: 2>} : vector<125x1x1000xi32>
      %mul3A_115 = arith.constant 5.000000e-01 : f32
      %mul3A_116 = vector.broadcast %mul3A_115 : f32 to vector<125x4x1000xf32>
      %mul3A_117 = arith.mulf %mul3A_116, %max3A_110 : vector<125x4x1000xf32>
      %gt3A = arith.cmpf ogt, %mul3A_102, %mul3A_117 : vector<125x4x1000xf32>
      %gt3A_118 = arith.cmpi sgt, %iota3A_114, %add3A_113 : vector<125x1x1000xi32>
      %and3A = vector.broadcast %gt3A_118 : vector<125x1x1000xi1> to vector<125x4x1000xi1>
      %and3A_119 = arith.andi %gt3A, %and3A : vector<125x4x1000xi1>
      %convert_element_type3A = arith.extui %and3A_119 : vector<125x4x1000xi1> to vector<125x4x1000xi32>
      %convert_element_type3A_120 = arith.sitofp %convert_element_type3A : vector<125x4x1000xi32> to vector<125x4x1000xf32>
      %swap3A_121 = arith.index_cast %mul3A_69 : i32 to index
      %swap3A_122 = arith.constant 0 : index
      %swap3A_123 = arith.constant 0 : index
      %swap3A_124 = vector.load %arg9[%swap3A_121, %swap3A_122, %swap3A_123] : memref<1000x4x1000xf32, #tpu.memory_space<vmem>>, vector<125x4x1000xf32>
      tpu.vector_store %arg9[%swap3A_121, %swap3A_122, %swap3A_123], %convert_element_type3A_120 {strides = array<i32>} : memref<1000x4x1000xf32, #tpu.memory_space<vmem>>, vector<125x4x1000xf32>,
    }
    %scan3A_51 = arith.constant 8 : i32
    %broadcast_in_dim3A_52 = arith.constant 1.000000e+00 : f32
    %broadcast_in_dim3A_53 = vector.broadcast %broadcast_in_dim3A_52 : f32 to vector<4x1000xf32>
    %scan3A_54 = arith.constant 0 : i32
    %scan3A_55 = arith.constant 1000 : i32
    %scan3A_56 = arith.addi %scan3A_54, %scan3A_55 : i32
    %scan3A_57 = arith.constant 1 : i32
    %scan3A_58 = scf.for %scan3A_67 = %scan3A_54 to %scan3A_56 step %scan3A_57 iter_args(%scan3A_68 = %broadcast_in_dim3A_53) -> (vector<4x1000xf32>)  : i32 {
      %get3A_69 = arith.index_cast %scan3A_67 : i32 to index
      %get3A_70 = arith.constant 0 : index
      %get3A_71 = arith.constant 0 : index
      %get3A_72 = vector.load %arg9[%get3A_69, %get3A_70, %get3A_71] : memref<1000x4x1000xf32, #tpu.memory_space<vmem>>, vector<1x4x1000xf32>
      %get3A_73 = vector.shape_cast %get3A_72 : vector<1x4x1000xf32> to vector<4x1000xf32>
      %eq3A = vector.broadcast %scan3A_67 : i32 to vector<1x1000xi32>
      %eq3A_74 = arith.cmpi eq, %iota3A, %eq3A : vector<1x1000xi32>
      %convert_element_type3A = arith.extui %eq3A_74 : vector<1x1000xi1> to vector<1x1000xi32>
      %convert_element_type3A_75 = arith.sitofp %convert_element_type3A : vector<1x1000xi32> to vector<1x1000xf32>
      %mul3A_76 = vector.broadcast %convert_element_type3A_75 : vector<1x1000xf32> to vector<4x1000xf32>
      %mul3A_77 = arith.mulf %scan3A_68, %mul3A_76 : vector<4x1000xf32>
      %reduce_sum3A = arith.constant dense<0.000000e+00> : vector<4xf32>
      %reduce_sum3A_78 = vector.multi_reduction <add>, %mul3A_77, %reduce_sum3A [1] : vector<4x1000xf32> to vector<4xf32>
      %broadcast_in_dim3A_79 = vector.shape_cast %reduce_sum3A_78 : vector<4xf32> to vector<4x1xf32>
      %mul3A_80 = vector.broadcast %broadcast_in_dim3A_79 : vector<4x1xf32> to vector<4x1000xf32>
      %mul3A_81 = arith.mulf %get3A_73, %mul3A_80 : vector<4x1000xf32>
      %gt3A = arith.constant 0.000000e+00 : f32
      %gt3A_82 = vector.broadcast %gt3A : f32 to vector<4x1000xf32>
      %gt3A_83 = arith.cmpf ogt, %mul3A_81, %gt3A_82 : vector<4x1000xf32>
      %jit3A = arith.constant 0.000000e+00 : f32
      %broadcast_in_dim3A_84 = vector.broadcast %jit3A : f32 to vector<4x1000xf32>
      %select_n3A = arith.select %gt3A_83, %broadcast_in_dim3A_84, %scan3A_68 : vector<4x1000xi1>, vector<4x1000xf32>
      scf.yield %select_n3A : vector<4x1000xf32>
    }
    %scan3A_59 = arith.constant 1000 : i32
    %get3A_60 = arith.constant 0 : index
    %get3A_61 = arith.constant 0 : index
    %get3A_62 = vector.load %arg6[%get3A_60, %get3A_61] : memref<4x1000xf32, #tpu.memory_space<vmem>>, vector<4x1000xf32>
    %mul3A_63 = arith.mulf %get3A_62, %scan3A_58 : vector<4x1000xf32>
    %swap3A_64 = arith.constant 0 : index
    %swap3A_65 = arith.constant 0 : index
    %swap3A_66 = vector.load %arg7[%swap3A_64, %swap3A_65] : memref<4x1000xf32, #tpu.memory_space<vmem>>, vector<4x1000xf32>
    tpu.vector_store %arg7[%swap3A_64, %swap3A_65], %mul3A_63 {strides = array<i32>} : memref<4x1000xf32, #tpu.memory_space<vmem>>, vector<4x1000xf32>,
    return
  }
}

</mosaic_0001>

<sc_bundles>
// kernel: gather_offload_async_start
scs
__scs_entry_jumppad:
0x0: {  	(pc) =	sbr.rel $0x88, $3  }
0x1: {  	(tag) =	ssettag $0x0;
	lr =	simm.s32 $0x1  }
0x2: {  	[smem:$0x3F9E] =	sst lr;
	_ =	strace $0xD0000000  }
0x3: {  	_ = 	snop  }
0x4: {  	_ = 	snop  }
0x5: {  	_ = 	snop  }
0x6: {  	_ = 	snop  }
0x7: {  	_ = 	snop  }
__scs_overlays_trampoline_lowered:
0x8: {  	[smem:$0x3FAD] =	sst s0  }
0x9: {  	[smem:$0x3FAE] =	sst s1  }
0xa: {  	[smem:$0x3FAF] =	sst s2  }
0xb: {  	[smem:$0x3FB0] =	sst s3  }
0xc: {  	[smem:$0x3FB1] =	sst s4  }
0xd: {  	[smem:$0x3FB2] =	sst s5  }
0xe: {  	[smem:$0x3FB3] =	sst s6  }
0xf: {  	[smem:$0x3FB4] =	sst s7  }
0x10: {  	[smem:$0x3FB5] =	sst s8  }
0x11: {  	[smem:$0x3FB6] =	sst s9;
	s0 =	simm.s32 @!p0 $0x0  }
0x12: {  	s1 =	sld [smem:$0x3F9C];
	s0 =	simm.s32 @p0 $0x1  }
0x13: {  	[smem:$0x3FB7] =	sst s0;
	s0 =	simm.s32 @!p1 $0x0  }
0x14: {  	s2 =	sld [smem:$0x3F9B];
	s0 =	simm.s32 @p1 $0x1  }
0x15: {  	[smem:$0x3FB8] =	sst s0;
	s0 =	simm.s32 @!p2 $0x0  }
0x16: {  	s3 =	sld [smem:$0x3FDB];
	s0 =	simm.s32 @p2 $0x1  }
0x17: {  	s4 =	simm.s32 $0x1BF5;
	[smem:$0x3FBA] =	sst s0  }
0x18: {  	s0 =	sld [smem:$0x3F9D];
	_ =	swait.ge [sflag:s4], $0x0  }
0x19: {  	s7 =	sld [smem:$0x3F9E]  }
0x1a: {  	s8 =	sadd.s32 $0xFFFFE003, lr  }
0x1b: {  	s9 =	sadd.s32 $0xFFFFFEF7, lr;
	s5 =	simm.s32 $0xFFFFFFFF;
	p2 =	slt.u32 s8, $0xFFFFF086  }
0x1c: {  	p1 =	slt.u32 s9, $0xF7A;
	s5 =	simm.s32 @!p2 $0x0  }
0x1d: {  	s5 =	simm.s32 @p1 $0x1;
	p0 =	seq.s32 s7, s2  }
0x1e: {  	s7 =	smul.u32 @!p0 $0xF7A, s2;
	p2 =	seq.s32 @!p0 s5, $0x0  }
0x1f: {  	s9 =	smul.u32 $0xF7A, s1;
	s8 =	simm.s32 @!p0 $0x1BF5;
	p2 =	por !p2, p0  }
0x20: {  	[sflag:s8] =	ssyncset.s32 @!p0 $0xFFFFF086;
	s6 =	sadd.s32 @!p0 s3, s7;
	s7 =	simm.s32 @!p0 $0x108  }
0x21: {  	s3 =	sadd.s32 s3, s9;
	s6 =	sadd.s32 @!p0 $0x88, s6;
	s7 =	simm.s32 @p2 $0x1082  }
0x22: {  	[simem:s7], [sflag:s8] =	dma.local @!p0 [hbm:s6], $0xF7A  }
0x23: {  	s9 =	sor.u32 $0xD0000000, s2;
	s6 =	simm.s32 $0x108;
	_ =	swait.ge @!p0 [sflag:s8], $0x0  }
0x24: {  	s3 =	sadd.s32 $0x88, s3;
	s6 =	simm.s32 @!p1 $0x1082;
	[sflag:s4] =	ssyncset.s32 $0xFFFFF086  }
0x25: {  	[simem:s6], [sflag:s4] =	dma.local [hbm:s3], $0xF7A  }
0x26: {  	[smem:$0x3F9E] =	sst s1;
	(tag) =	ssettag s2;
	_ =	strace s9  }
0x27: {  	s1 =	sld [smem:$0x3FAE]  }
0x28: {  	s2 =	sld [smem:$0x3FAF]  }
0x29: {  	s4 =	sld [smem:$0x3FB1]  }
0x2a: {  	p0 =	seq.s32 s5, $0x0;
	s5 =	sld [smem:$0x3FB2]  }
0x2b: {  	s6 =	sld [smem:$0x3FB3]  }
0x2c: {  	s7 =	sld [smem:$0x3FB4]  }
0x2d: {  	s3 =	simm.s32 $0x108;
	s8 =	sld [smem:$0x3FB5]  }
0x2e: {  	s3 =	simm.s32 @!p0 $0x1082;
	s9 =	sld [smem:$0x3FB6]  }
0x2f: {  	lr =	sadd.s32 s0, s3;
	s0 =	sld [smem:$0x3FAD]  }
0x30: {  	s3 =	sld [smem:$0x3FB0]  }
0x31: {  	[smem:$0x3FB9] =	sst s10  }
0x32: {  	s10 =	sld [smem:$0x3FB7];
	_ =	sdelay $0x3  }
0x33: {  	p0 =	seq.s32 s10, $0x1;
	s10 =	sld [smem:$0x3FB9];
	_ =	sdelay $0x3  }
0x34: {  	[smem:$0x3FB9] =	sst s10  }
0x35: {  	s10 =	sld [smem:$0x3FB8];
	_ =	sdelay $0x3  }
0x36: {  	p1 =	seq.s32 s10, $0x1;
	s10 =	sld [smem:$0x3FB9];
	_ =	sdelay $0x3  }
0x37: {  	[smem:$0x3FB9] =	sst s10  }
0x38: {  	s10 =	sld [smem:$0x3FBA]  }
0x39: {  	_ = 	snop;
	(pc) =	sbr.ind lr, $3  }
0x3a: {  	_ = 	snop  }
0x3b: {  	_ = 	snop  }
0x3c: {  	p2 =	seq.s32 s10, $0x1;
	s10 =	sld [smem:$0x3FB9]  }
0x3d: {  	_ =	shalt  }
0x3e: {  	_ =	shalt  }
0x3f: {  	_ =	shalt  }
0x40: {  	_ =	shalt  }
0x41: {  	_ =	shalt  }
0x42: {  	_ =	shalt  }
0x43: {  	_ =	shalt  }
0x44: {  	_ =	shalt  }
0x45: {  	_ =	shalt  }
0x46: {  	_ =	shalt  }
0x47: {  	_ =	shalt  }
0x48: {  	_ =	shalt  }
0x49: {  	_ =	shalt  }
0x4a: {  	_ =	shalt  }
0x4b: {  	_ =	shalt  }
0x4c: {  	_ =	shalt  }
0x4d: {  	_ =	shalt  }
0x4e: {  	_ =	shalt  }
0x4f: {  	_ =	shalt  }
0x50: {  	_ =	shalt  }
0x51: {  	_ =	shalt  }
0x52: {  	_ =	shalt  }
0x53: {  	_ =	shalt  }
0x54: {  	_ =	shalt  }
0x55: {  	_ =	shalt  }
0x56: {  	_ =	shalt  }
0x57: {  	_ =	shalt  }
0x58: {  	_ =	shalt  }
0x59: {  	_ =	shalt  }
0x5a: {  	_ =	shalt  }
0x5b: {  	_ =	shalt  }
0x5c: {  	_ =	shalt  }
0x5d: {  	_ =	shalt  }
0x5e: {  	_ =	shalt  }
0x5f: {  	_ =	shalt  }
0x60: {  	_ =	shalt  }
0x61: {  	_ =	shalt  }
0x62: {  	_ =	shalt  }
0x63: {  	_ =	shalt  }
0x64: {  	_ =	shalt  }
0x65: {  	_ =	shalt  }
0x66: {  	_ =	shalt  }
0x67: {  	_ =	shalt  }
0x68: {  	_ =	shalt  }
0x69: {  	_ =	shalt  }
0x6a: {  	_ =	shalt  }
0x6b: {  	_ =	shalt  }
0x6c: {  	_ =	shalt  }
0x6d: {  	_ =	shalt  }
0x6e: {  	_ =	shalt  }
0x6f: {  	_ =	shalt  }
0x70: {  	_ =	shalt  }
0x71: {  	_ =	shalt  }
0x72: {  	_ =	shalt  }
0x73: {  	_ =	shalt  }
0x74: {  	_ =	shalt  }
0x75: {  	_ =	shalt  }
0x76: {  	_ =	shalt  }
0x77: {  	_ =	shalt  }
0x78: {  	_ =	shalt  }
0x79: {  	_ =	shalt  }
0x7a: {  	_ =	shalt  }
0x7b: {  	_ =	shalt  }
0x7c: {  	_ =	shalt  }
0x7d: {  	_ =	shalt  }
0x7e: {  	_ =	shalt  }
0x7f: {  	_ =	shalt  }
0x80: {  	_ =	shalt  }
0x81: {  	_ =	shalt  }
0x82: {  	_ =	shalt  }
0x83: {  	_ =	shalt  }
0x84: {  	_ =	shalt  }
0x85: {  	_ =	shalt  }
0x86: {  	_ =	shalt  }
0x87: {  	_ =	shalt  }
.Lfunc_end0:
.L_simem_size_0:
called_computation_lowered:
.L_overlay_start_0:
0x88: {  	s2 =	sld [smem:$0x3FD9]  }
0x89: {  	s3 =	sld [smem:$0x3FFE];
	_ =	sdelay $0x1  }
0x8a: {  	s1 =	srdreg.scid  }
0x8b: {  	s0 =	sand.u32 $0x1, s1  }
0x8c: {  	s17 =	sshll.u32 s0, $0xA;
	s2 =	sadd.s32 s3, s2  }
0x8d: {  	s2 =	sadd.s32 s2, s17  }
0x8e: {  	[smem:$0x3FC5] =	sst s2  }
0x8f: {  	_ = 	snop  }
0x90: {  	s2 =	sld [smem:$0x3FD0];
	(tm) =	ssettm $0x1  }
0x91: {  	s18 =	sld [smem:$0x3FFB];
	_ =	sdelay $0x3  }
0x92: {  	_ =	strace s18  }
0x93: {  	s3 =	sld [smem:$0x3FFC];
	_ =	sdelay $0x3  }
0x94: {  	_ =	strace s3  }
0x95: {  	s3 =	sld [smem:$0x3FFD];
	_ =	sdelay $0x3  }
0x96: {  	_ =	strace s3  }
0x97: {  	_ =	strace $0x8FFFFFFF  }
0x98: {  	s19 =	sld [smem:$0x3FDB];
	_ =	sdelay $0x1  }
0x99: {  	s4 =	simm.s32 $_scs_section_size  }
0x9a: {  	s5 =	simm.s32 $_size__tile_overlayer_lowered;
	s6 =	simm.s32 $_tile_overlayer_lowered  }
0x9b: {  	s22 =	simm.s32 $0x1BFF;
	s21 =	sshll.u32 s6, $0x1;
	s3 =	sadd.s32 s4, s19  }
0x9c: {  	s7 =	simm.s32 $0x0;
	s20 =	sshll.u32 s5, $0x1;
	s5 =	sadd.s32 s21, s3  }
0x9d: {  	[timem:s7], [sflag:s22] =	dma.local [hbm:s5], s20  }
0x9e: {  	_ =	swait.ge [sflag:s22], s20  }
0x9f: {  	s4 =	ssub.s32 $0x0, s20;
	[sflag:s22] =	ssyncset.done $0x0  }
0xa0: {  	[sflag:s22] =	ssyncadd.s32 s4;
	_ =	sdelay $0x1  }
0xa1: {  	s23 =	simm.s32 $0x1B8B  }
0xa2: {  	_ =	swait.ge [sflag:s23], $0x1  }
0xa3: {  	[sflag:s23] =	ssyncset.done $0x0  }
0xa4: {  	s25 =	simm.s32 $0x1B8E;
	s24 =	sld [smem:$0x3FFE];
	[sflag:s23] =	ssyncadd.s32 $0xFFFFFFFF  }
0xa5: {  	s26 =	simm.s32 $execute0_lowered;
	[smem:$0x3FD2] =	sst s25  }
0xa6: {  	s5 =	sshll.u32 s26, $0x1;
	_ =	strace $0x80000046;
	[dreg:$0x1] =	wrdreg $0xFFFFFFFF  }
0xa7: {  	s28 =	simm.s32 $_size_execute0_lowered;
	s3 =	sadd.s32 s3, s5;
	[dreg:$0x0] =	wrdreg $0x0  }
0xa8: {  	s5 =	sshll.u32 s28, $0x1;
	[dreg:$0x2] =	wrdreg s3  }
0xa9: {  	[dreg:$0x3] =	wrdreg s5  }
0xaa: {  	[dreg:$0x4] =	wrdreg $0xC0  }
0xab: {  	_ =	task [dreg:s7], $0x5FFFF  }
0xac: {  	[dreg:$0x1] =	wrdreg $0xFFFFFFFF  }
0xad: {  	[dreg:$0x0] =	wrdreg $0x60  }
0xae: {  	[dreg:$0x2] =	wrdreg s24  }
0xaf: {  	[dreg:$0x3] =	wrdreg s2  }
0xb0: {  	[dreg:$0x4] =	wrdreg $0x9  }
0xb1: {  	_ =	task.clear_ibuf [dreg:s7], $0x5FFFF;
	_ =	strace $0x90000046  }
0xb2: {  	s29 =	simm.s32 $0x9;
	_ =	strace $0x80000048  }
0xb3: {  	_ =	swait.ge [sflag:s29], $0x1  }
0xb4: {  	[sflag:s29] =	ssyncadd.s32 $0xFFFFFFFF  }
0xb5: {  	_ =	strace $0x90000048  }
0xb6: {  	_ =	sfence  }
0xb7: {  	s30 =	sld [smem:$0x0];
	_ =	sdelay $0x2  }
0xb8: {  	s31 =	sshll.u32 s1, $0xD;
	s1 =	sshrl.u32 s1, $0x2  }
0xb9: {  	s3 =	sand.u32 $0x4000, s31;
	s1 =	sadd.s32 s1, s30  }
0xba: {  	s0 =	sor.u32 s3, s0;
	s1 =	sshll.u32 s1, $0x11  }
0xbb: {  	s0 =	sor.u32 s1, s0  }
0xbc: {  	s0 =	sadd.s32 $0x8F2B, s0  }
0xbd: {  	[sflag:s0] =	ssyncadd.remote.s32 $0x1  }
0xbe: {  	_ =	sfence.sel $0xFFFF  }
0xbf: {  	[dreg:$0x0] =	wrdreg $0xFFFFFFFF;
	(pc) =	sbr.abs _section_cstart, $3  }
0xc0: {  	[dreg:$0x1] =	wrdreg $0xFFFFFFFF  }
0xc1: {  	_ =	task.clear_ibuf [dreg:s7], $0x2FFFF;
	_ =	strace $0x9FFFFFFF  }
0xc2: {  	(tm) =	ssettm $0x7FFFFFFF  }
0xc3: {  	_ =	shalt  }
tec
execute0_lowered:
.L_overlay_start_1:
0x0: {  	(tag) =	ssettag $0x1  }
0x1: {  	s0 =	srdreg.scid  }
0x2: {  	s1 =	sshll.u32 s0, $0x4  }
0x3: {  	s0 =	stileid.u32;
	s1 =	sand.u32 $0x10, s1  }
0x4: {  	s2 =	sor.u32 s0, s1  }
0x5: {  	s1 =	smin.u32 s2, $0x12  }
0x6: {  	s1 =	sadd.s32 s2, s1  }
0x7: {  	p0 =	slt.u32 s2, $0x12;
	s2 =	simm.s32 $0xA0;
	s1 =	smul.u32 $0x50, s1  }
0x8: {  	s2 =	simm.s32 @!p0 $0x50  }
0x9: {  	s2 =	sadd.s32 s2, s1  }
0xa: {  	s3 =	smin.u32 s2, $0xFA0  }
0xb: {  	s7 =	ssub.s32 s3, s1  }
0xc: {  	p0 =	sgt.s32 s7, $0x0  }
0xd: {  	s7 =	simm.s32 @!p0 $0x0  }
0xe: {  	s4 =	rddreg [dreg:$0x0];
	s31 =	smul.u32 $0xCCCD, s7  }
0xf: {  	s5 =	rddreg [dreg:$0x1]  }
0x10: {  	s6 =	simm.s32 $0x1;
	s10 =	simm.s32 $0x3;
	s8 =	sshrl.u32 s31, $0x16  }
0x11: {  	s13 =	simm.s32 $0x0;
	s12 =	simm.s32 $0x0;
	s9 =	smul.u32 $0x50, s8  }
.Ltmp0:
0x12: {  	s11 =	smov.u32 s1;
	s2 =	rddreg [dreg:$0x2];
	(pc) =	sbr.rel .LBB2_1-.Ltmp0, $4  }
0x13: {  	_ =	strace $0x80000047;
	p0 =	sne.s32 s7, s9;
	s9 =	simm.s32 $0x1  }
0x14: {  	[sflag:s6] =	ssyncpa.u1 $0x0;
	s7 =	simm.s32 $0x2;
	s9 =	simm.s32 @!p0 $0x0  }
0x15: {  	[sflag:s7] =	ssyncpa.u1 $0x0;
	p0 =	por $0x0, $0x0;
	s8 =	sadd.s32 s8, s9  }
0x16: {  	vm0 =	vmmov $0xff;
	vm1 =	vcmask $0x3F20;
	s9 =	sadd.s32 $0x4E200, s4;
	[sflag:s10] =	ssyncpa.u1 $0x0;
	s10 =	sadd.s32 $0x1, s8  }
.LBB2_6:
0x17: {  	[hbm:s17] =	stream.linear.scatter [tilespmem:s14], [sflag:$0x3], $0x400, $0x38;
	[tilespmem:$0x50A0] =	vst v63  }
.LBB2_7:
0x18: {  	s13 =	sadd.s32 $0x50, s11  }
0x19: {  	s15 =	smov.u32 s1;
	p2 =	slt.s32 s13, s3  }
0x1a: {  	s15 =	smov.u32 @p2 s13;
	p2 =	sne.s32 s12, s10  }
.Ltmp1:
0x1b: {  	p1 =	slt.u32 s12, $0x2;
	(pc) =	sbr.rel @!p2 .LBB2_8-.Ltmp1, $4  }
0x1c: {  	s14 =	simm.s32 @!p1 $0x3  }
0x1d: {  	s16 =	sadd.s32 $0x1, s12;
	_ =	swait.ge @!p1 [sflag:s14], $0x2800  }
0x1e: {  	p0 =	por !p0, !p0;
	s13 =	smov.u32 s11;
	[sflag:s14] =	ssyncset.done @!p1 $0x0  }
0x1f: {  	s12 =	smov.u32 s16;
	s11 =	smov.u32 s15;
	[sflag:s14] =	ssyncadd.s32 @!p1 $0xFFFFD800  }
.LBB2_1:
0x20: {  	p1 =	sge.u32 s12, s8  }
0x21: {  	s14 =	sxor.u32 @!p1 $0xFFFFFFFF, s12  }
0x22: {  	s14 =	sand.u32 @!p1 $0x1, s14  }
0x23: {  	s14 =	smul.u32 @!p1 $0x140, s14  }
0x24: {  	s31 =	sadd.s32 $0xFFFFFFFF, s12;
	s15 =	sshrl.u32 @!p1 s11, $0x3  }
0x25: {  	s16 =	sand.u32 @!p1 $0x7, s11;
	s15 =	sadd.s32 @!p1 s5, s15;
	s14 =	sshrl.u32 @!p1 s14, $0x2  }
0x26: {  	[tilespmem:s14], [sflag:$0x2] =	stream.linear.gather @!p1 [hbm4b:s15+s16], $0x50, $0x38;
	[tilespmem:$0x50A0] =	vst v63  }
0x27: {  	p1 =	sge.u32 s31, s8  }
.Ltmp2:
0x28: {  	_ = 	snop;
	(pc) =	sbr.rel @p1 .LBB2_7-.Ltmp2, $1  }
0x29: {  	_ =	sdelay $0x3  }
0x2a: {  	s14 =	simm.s32 $0x1  }
0x2b: {  	s14 =	simm.s32 @!p0 $0x0  }
0x2c: {  	s15 =	smul.u32 $0x140, s14  }
0x2d: {  	_ =	swait.ge [sflag:s7], $0x50  }
0x2e: {  	[sflag:s7] =	ssyncset.done $0x0;
	s16 =	sshrl.u32 s15, $0x2  }
0x2f: {  	[sflag:s7] =	ssyncadd.s32 $0xFFFFFFB0;
	s15 =	sadd.s32 $0x0, s16  }
0x30: {  	v0 =	vld.msk [tilespmem:s15+$0x0 ss:$0x1], $0xffff;
	_ =	sdelay $0x4  }
0x31: {  	v1 =	vand.u32 $0x3, v0;
	v2 =	vshll.u32 v0, $0x5  }
0x32: {  	vm2 =	veq.s32 v0, $0x80000000;
	v0 =	vmul.u32 $0x9C400, v1;
	v1 =	vand.u32 $0xFFF80, v2  }
0x33: {  	v1 =	vsel vm2, $0xFFFFFF80, v1  }
0x34: {  	v0 =	vsel vm2, $0xFFF63C00, v0;
	v2 =	vand.u32 $0xFFFFFC00, v1  }
0x35: {  	v1 =	vand.u32 $0x380, v1;
	v0 =	vadd.s32 v0, v2  }
0x36: {  	v0 =	vor.u32 v1, v0  }
0x37: {  	v0 =	vshrl.u32 v0, $0x3  }
0x38: {  	s14 =	smul.u32 $0xA000, s14;
	_ =	sdelay $0x1  }
0x39: {  	s14 =	sshrl.u32 s14, $0x2  }
0x3a: {  	s14 =	sor.u32 $0xA0, s14  }
0x3b: {  	[tilespmem:s14], [sflag:$0x1] =	stream.indirect_vreg.gather [hbm:s4], $0x80, v0, vm0, $0x38;
	[tilespmem:$0x50A0] =	vst v63  }
0x3c: {  	s17 =	sadd.s32 $0x10, s16;
	s15 =	sadd.s32 $0x400, s14  }
0x3d: {  	[tilespmem:s15], [sflag:$0x1] =	stream.indirect_vreg.gather [hbm:s4], $0x80, v0, vm1, $0x38;
	[tilespmem:$0x50A0] =	vst v63  }
0x3e: {  	s18 =	simm.s32 $0x80;
	v0 =	vld.msk [tilespmem:s17+$0x0 ss:$0x1], $0xffff;
	s17 =	smov.u32 s14  }
.LBB2_3:
0x3f: {  	p1 =	sne.s32 s18, $0x100;
	_ =	sdelay $0x4  }
0x40: {  	v1 =	vand.u32 $0x3, v0;
	v2 =	vshll.u32 v0, $0x5  }
0x41: {  	vm2 =	veq.s32 v0, $0x80000000;
	v0 =	vmul.u32 $0x9C400, v1;
	v1 =	vand.u32 $0xFFF80, v2  }
0x42: {  	v1 =	vsel vm2, $0xFFFFFF80, v1  }
0x43: {  	v0 =	vsel vm2, $0xFFF63C00, v0;
	v2 =	vand.u32 $0xFFFFFC00, v1  }
0x44: {  	v1 =	vand.u32 $0x380, v1;
	v0 =	vadd.s32 v0, v2  }
0x45: {  	v0 =	vor.u32 v1, v0  }
0x46: {  	v0 =	vshrl.u32 v0, $0x3;
	_ =	sdelay $0x3  }
.Ltmp3:
0x47: {  	s19 =	sshra.s32 s18, $0x2;
	s17 =	sadd.s32 $0x800, s17;
	(pc) =	sbr.rel @p1 .LBB2_3-.Ltmp3, $4  }
0x48: {  	[tilespmem:s17], [sflag:$0x1] =	stream.indirect_vreg.gather [hbm:s4], $0x80, v0, vm0, $0x38;
	[tilespmem:$0x50A0] =	vst v63  }
0x49: {  	s19 =	sadd.s32 s19, s16;
	s20 =	sadd.s32 $0x400, s17  }
0x4a: {  	[tilespmem:s20], [sflag:$0x1] =	stream.indirect_vreg.gather [hbm:s4], $0x80, v0, vm1, $0x38;
	[tilespmem:$0x50A0] =	vst v63  }
0x4b: {  	s18 =	sadd.s32 $0x40, s18;
	v0 =	vld.msk [tilespmem:s19+$0x0 ss:$0x1], $0xffff  }
0x4c: {  	_ =	sdelay $0x3  }
0x4d: {  	v1 =	vand.u32 $0x3, v0;
	v2 =	vshll.u32 v0, $0x5  }
0x4e: {  	vm2 =	veq.s32 v0, $0x80000000;
	v61 =	vmul.u32 $0x9C400, v1;
	v62 =	vand.u32 $0xFFF80, v2  }
0x4f: {  	v1 =	vsel vm2, $0xFFFFFF80, v62  }
0x50: {  	v0 =	vsel vm2, $0xFFF63C00, v61;
	v63 =	vand.u32 $0xFFFFFC00, v1  }
0x51: {  	v1 =	vand.u32 $0x380, v1;
	v0 =	vadd.s32 v0, v63  }
0x52: {  	v0 =	vor.u32 v1, v0  }
0x53: {  	v0 =	vshrl.u32 v0, $0x3;
	_ =	sdelay $0x3  }
0x54: {  	s16 =	sadd.s32 $0x800, s17  }
0x55: {  	[tilespmem:s16], [sflag:$0x1] =	stream.indirect_vreg.gather [hbm:s4], $0x80, v0, vm0, $0x38;
	[tilespmem:$0x50A0] =	vst v63  }
0x56: {  	s16 =	sadd.s32 $0x400, s16  }
0x57: {  	[tilespmem:s16], [sflag:$0x1] =	stream.indirect_vreg.gather [hbm:s4], $0x80, v0, vm1, $0x38;
	[tilespmem:$0x50A0] =	vst v63  }
0x58: {  	s13 =	sshll.u32 s13, $0x4;
	_ =	swait.ge [sflag:s6], $0x2800  }
0x59: {  	s13 =	sadd.s32 s13, s9;
	[sflag:s6] =	ssyncset.done $0x0  }
0x5a: {  	s17 =	sadd.s32 $0x0, s13;
	s16 =	simm.s32 $0x80;
	[sflag:s6] =	ssyncadd.s32 $0xFFFFD800  }
.LBB2_5:
0x5b: {  	[hbm:s17] =	stream.linear.scatter [tilespmem:s14], [sflag:$0x3], $0x400, $0x38;
	[tilespmem:$0x50A0] =	vst v63  }
0x5c: {  	s17 =	smov.u32 s16;
	s14 =	smov.u32 s15;
	p1 =	sne.s32 s16, $0x480  }
.Ltmp4:
0x5d: {  	s16 =	sadd.s32 $0x80, s16;
	(pc) =	sbr.rel @p1 .LBB2_5-.Ltmp4, $2  }
0x5e: {  	_ =	sdelay $0x2  }
0x5f: {  	s15 =	sadd.s32 $0x400, s15;
	s17 =	sadd.s32 s17, s13  }
.Ltmp5:
0x60: {  	_ = 	snop;
	(pc) =	sbr.rel .LBB2_6-.Ltmp5, $1  }
0x61: {  	_ =	sdelay $0x3  }
.LBB2_8:
0x62: {  	_ =	sfence.sel $0x180000  }
0x63: {  	s1 =	simm.s32 $0x2;
	[bflag:$0x0] =	sbarrier.arrive $0xFFFF  }
0x64: {  	s30 =	simm.s32 $0x3;
	[sflag:s1] =	ssyncpa.u1 $0x1  }
0x65: {  	s31 =	simm.s32 $0x1;
	[sflag:s30] =	ssyncpa.u1 $0x1  }
0x66: {  	[sflag:s31] =	ssyncpa.u1 $0x1  }
0x67: {  	p0 =	sne.s32 s0, $0x0;
	_ =	strace $0x90000047  }
0x68: {  	s0 =	sadd.s32 @!p0 $0x100000, s2;
	[bflag:$0x2] =	sbarrier.arrive $0xFFFF  }
0x69: {  	[sflag:s0] =	ssyncadd.tile.s32 @!p0 $0x1;
	_ =	shalt  }
.Lfunc_end2:
_tile_overlayer_lowered:
.L_overlay_start_2:
0x6a: {  	(tag) =	ssettag $0x2  }
0x6b: {  	s0 =	rddreg [dreg:$0x0];
	s2 =	stileid.u32  }
0x6c: {  	s1 =	rddreg [dreg:$0x1];
	p0 =	sne.s32 s2, $0x0  }
0x6d: {  	s3 =	rddreg [dreg:$0x2];
	[bflag:$0x3] =	sbarrier.arrive $0xFFFF;
	s2 =	simm.s32 @!p0 $0x1C01  }
0x6e: {  	[timem:s3], [sflag:s2] =	dma.local @!p0 [hbm:s0], s1  }
0x6f: {  	s0 =	simm.s32 @!p0 $0x1  }
0x70: {  	_ =	swait.ge @!p0 [sflag:s0], s1  }
0x71: {  	s1 =	ssub.s32 @!p0 $0x0, s1;
	[sflag:s0] =	ssyncset.done @!p0 $0x0  }
0x72: {  	[sflag:s0] =	ssyncadd.s32 @!p0 s1  }
0x73: {  	[bflag:$0x3] =	sbarrier.arrive $0xFFFF  }
0x74: {  	_ =	shalt  }

</sc_bundles>
